<compile_context>
chip_gen: v7x
topology: tpu7x:2x2x1
jax: 0.10.2.dev20260603
libtpu: 0.0.44.dev20260713+nightly
codegen_flags: <defaults>
</compile_context>

<pallas_src>
import functools

import numpy as np
import jax
import jax.numpy as jnp
from jax import lax
from jax.experimental import pallas as pl
from jax.experimental.pallas import tpu as pltpu
from jax.experimental.pallas import tpu_sc as plsc

_NUM_SPHERICAL = 7
_NUM_RADIAL = 6
_CUTOFF = 5.0
_NK = _NUM_SPHERICAL * _NUM_RADIAL
_NKP = 48

_TB = 2560

_PREF = np.sqrt((2 * np.arange(_NUM_SPHERICAL) + 1) / (4.0 * np.pi)).astype(
    np.float32
)



def _sc_gather(dist, idx_kj):
    T = idx_kj.shape[0]
    info = plsc.get_sparse_core_info()
    nw = info.num_cores * info.num_subcores
    tpw = T // nw
    ch = 80
    nch = tpw // ch
    depth = 8

    mesh = plsc.VectorSubcoreMesh(core_axis_name="c", subcore_axis_name="s")

    @functools.partial(
        pl.kernel,
        mesh=mesh,
        out_type=jax.ShapeDtypeStruct((T,), jnp.float32),
        scratch_types=[
            pltpu.VMEM((tpw,), jnp.int32),
            pltpu.VMEM((tpw,), jnp.float32),
            pltpu.SemaphoreType.DMA,
        ],
    )
    def gather_kernel(dist_hbm, idx_hbm, out_hbm, idx_v, d_v, sem):
        wid = lax.axis_index("s") * info.num_cores + lax.axis_index("c")
        base = wid * tpw
        pltpu.sync_copy(idx_hbm.at[pl.ds(base, tpw)], idx_v)

        def chunk_copy(g):
            return pltpu.make_async_copy(
                dist_hbm.at[idx_v.at[pl.ds(g * ch, ch)]],
                d_v.at[pl.ds(g * ch, ch)],
                sem,
            )

        def fire(g, carry):
            chunk_copy(g).start()

            @pl.when(g >= depth)
            def _():
                chunk_copy(g - depth).wait()

            return carry

        lax.fori_loop(0, nch, fire, 0)

        def drain(g, carry):
            chunk_copy(nch - depth + g).wait()
            return carry

        lax.fori_loop(0, depth, drain, 0)
        pltpu.sync_copy(d_v, out_hbm.at[pl.ds(base, tpw)])

    return gather_kernel(dist, idx_kj)



def _tc_body(d_ref, a_ref, z_ref, n_ref, p_ref, out_ref):
    d = d_ref[...].reshape(1, _TB) / np.float32(_CUTOFF)
    zs = z_ref[...]

    xs = d * zs
    sin_ = jnp.sin(xs)
    cos_ = jnp.cos(xs)

    j0 = sin_ / xs
    j1 = sin_ / (xs * xs) - cos_ / xs
    js = [j0, j1]
    jm, jc = j0, j1
    for i in range(1, _NUM_SPHERICAL - 1):
        jn = np.float32(2 * i + 1) / xs * jc - jm
        js.append(jn)
        jm, jc = jc, jn
    nr = _NUM_RADIAL
    res = jnp.concatenate(
        [js[s][s * nr : (s + 1) * nr] for s in range(_NUM_SPHERICAL)]
        + [js[0][_NK:_NKP]],
        axis=0,
    )
    rbf = res * n_ref[...]

    z = jnp.cos(a_ref[...].reshape(1, _TB))
    ps = [jnp.ones_like(z), z]
    pm, pc = ps[0], z
    for l in range(2, _NUM_SPHERICAL):
        pn = (np.float32(2 * l - 1) * z * pc - np.float32(l - 1) * pm) / np.float32(l)
        ps.append(pn)
        pm, pc = pc, pn
    cb = jnp.concatenate(
        [jnp.broadcast_to(ps[s], (nr, _TB)) for s in range(_NUM_SPHERICAL)]
        + [jnp.zeros((_NKP - _NK, _TB), jnp.float32)],
        axis=0,
    )
    cbf = cb * p_ref[...]

    out = rbf * cbf
    out_ref[...] = out.T[:, :_NK]


def _tc_math(d_g, angle, bessel_zeros, bessel_norm):
    T = d_g.shape[0]
    nblk = T // _TB

    zcol = jnp.concatenate(
        [
            bessel_zeros.reshape(_NK, 1),
            jnp.ones((_NKP - _NK, 1), jnp.float32),
        ]
    )
    ncol = jnp.concatenate(
        [
            bessel_norm.reshape(_NK, 1),
            jnp.zeros((_NKP - _NK, 1), jnp.float32),
        ]
    )
    pcol = jnp.concatenate(
        [
            jnp.asarray(np.repeat(_PREF, _NUM_RADIAL).reshape(_NK, 1)),
            jnp.zeros((_NKP - _NK, 1), jnp.float32),
        ]
    )
    d3 = d_g.reshape(nblk, 1, _TB)
    a3 = angle.reshape(nblk, 1, _TB)

    return pl.pallas_call(
        _tc_body,
        grid=(nblk,),
        in_specs=[
            pl.BlockSpec((1, 1, _TB), lambda i: (i, 0, 0)),
            pl.BlockSpec((1, 1, _TB), lambda i: (i, 0, 0)),
            pl.BlockSpec((_NKP, 1), lambda i: (0, 0)),
            pl.BlockSpec((_NKP, 1), lambda i: (0, 0)),
            pl.BlockSpec((_NKP, 1), lambda i: (0, 0)),
        ],
        out_specs=pl.BlockSpec((_TB, _NK), lambda i: (i, 0)),
        out_shape=jax.ShapeDtypeStruct((T, _NK), jnp.float32),
    )(d3, a3, zcol, ncol, pcol)


def kernel(dist, angle, idx_kj, bessel_zeros, bessel_norm):
    d_g = _sc_gather(dist, idx_kj)
    return _tc_math(d_g, angle, bessel_zeros, bessel_norm)

# --- scband reference (transcript-rebuilt; emitter-appended) ---
"""Pipeline reference for scband-angle-emb-5952824672742 (READ-ONLY COPY).

The authoritative reference and input builder live on the scoring server;
editing this copy changes nothing except your own understanding.
"""

import jax, jax.numpy as jnp
import numpy as np

NUM_SPHERICAL = 7
NUM_RADIAL = 6
CUTOFF = 5.0


def _sph_jn_np(n, x):
    x = np.asarray(x, dtype=np.float64)
    j0 = np.sin(x) / x
    if n == 0:
        return j0
    j1 = np.sin(x) / x ** 2 - np.cos(x) / x
    jm, jc = j0, j1
    for i in range(1, n):
        jm, jc = jc, (2 * i + 1) / x * jc - jm
    return jc


def _bisect(n, a, b, iters=100):
    fa = _sph_jn_np(n, a)
    for _ in range(iters):
        m = 0.5 * (a + b)
        fm = _sph_jn_np(n, m)
        if fa * fm <= 0:
            b = m
        else:
            a = m
            fa = fm
    return 0.5 * (a + b)


def _jn_zeros(n, k):
    zerosj = np.zeros((n, k), dtype=np.float64)
    zerosj[0] = np.arange(1, k + 1) * np.pi
    points = np.arange(1, k + n) * np.pi
    racines = np.zeros(k + n - 1, dtype=np.float64)
    for i in range(1, n):
        for j in range(k + n - 1 - i):
            racines[j] = _bisect(i, points[j], points[j + 1])
        points = racines.copy()
        zerosj[i][:k] = racines[:k]
    return zerosj


def _tables():
    zeros = _jn_zeros(NUM_SPHERICAL, NUM_RADIAL)
    norm = np.zeros_like(zeros)
    for i in range(NUM_SPHERICAL):
        for j in range(NUM_RADIAL):
            norm[i, j] = 1.0 / np.sqrt(0.5 * _sph_jn_np(i + 1, zeros[i, j]) ** 2)
    return zeros.astype(np.float32), norm.astype(np.float32)


def setup_inputs(seed: int = 0):
    key = jax.random.key(seed)
    k1, k2, k3 = jax.random.split(key, 3)
    E = 320000
    T = 640000
    dist = jax.random.uniform(k1, (E,), dtype=jnp.float32) * 4.9 + 0.1
    angle = jax.random.uniform(k2, (T,), dtype=jnp.float32) * np.float32(np.pi)
    idx_kj = jax.random.randint(k3, (T,), 0, E, dtype=jnp.int32)
    zeros, norm = _tables()
    return {"dist": dist, "angle": angle, "idx_kj": idx_kj, "bessel_zeros": jnp.asarray(zeros), "bessel_norm": jnp.asarray(norm)}


def _forward(dist, angle, bessel_zeros, bessel_norm, idx_kj):
    n, k = NUM_SPHERICAL, NUM_RADIAL
    d = dist / CUTOFF
    xs = d[:, None, None] * bessel_zeros[None, :, :]
    j0 = jnp.sin(xs) / xs
    j1 = jnp.sin(xs) / xs ** 2 - jnp.cos(xs) / xs
    js = [j0, j1]
    for i in range(1, n - 1):
        js.append((2 * i + 1) / xs * js[-1] - js[-2])
    rbf = jnp.stack([js[i][:, i, :] for i in range(n)], axis=1) * bessel_norm[None, :, :]
    rbf = rbf.reshape(-1, n * k)
    z = jnp.cos(angle)
    P = [jnp.ones_like(z), z]
    for l in range(2, n):
        P.append(((2 * l - 1) * z * P[-1] - (l - 1) * P[-2]) / l)
    pref = jnp.asarray([np.sqrt((2 * l + 1) / (4.0 * np.pi)) for l in range(n)], dtype=jnp.float32)
    cbf = jnp.stack(P[:n], axis=1) * pref[None, :]
    out = (rbf[idx_kj].reshape(-1, n, k) * cbf[:, :, None]).reshape(-1, n * k)
    return out


def reference(dist, angle, idx_kj, bessel_zeros, bessel_norm):
    return _forward(dist, angle, bessel_zeros, bessel_norm, idx_kj)

if __name__ == "__main__":
    import jax
    _d = setup_inputs()
    print(jax.jit(kernel)(*tuple(_d.values())))

</pallas_src>

<mosaic_0001>
#map = affine_map<(d0, d1) -> (0)>
module attributes {stable_mosaic.version = 14 : i64} {
  func.func @gather_kernel(%arg0: i32, %arg1: i32, %arg2: memref<320000xf32, #tpu.memory_space<hbm>>, %arg3: memref<640000xi32, #tpu.memory_space<hbm>>, %arg4: memref<640000xf32, #tpu.memory_space<hbm>>, %arg5: memref<20000xi32, #tpu.memory_space<vmem>>, %arg6: memref<20000xf32, #tpu.memory_space<vmem>>, %arg7: memref<!tpu.dma_semaphore, #tpu.memory_space<semaphore_mem>>) attributes {dimension_semantics = [#tpu.dimension_semantics<core_parallel>, #tpu.dimension_semantics<subcore_parallel>], iteration_bounds = array<i64: 2, 16>, scalar_prefetch = 0 : i64, scratch_operands = 3 : i64, tpu.core_type = #tpu.core_type<sc_vector_subcore>, window_params = [{transform_indices = #map}, {transform_indices = #map}, {transform_indices = #map}]} {
    %mul3A = arith.constant 2 : i32
    %mul3A_0 = arith.muli %arg1, %mul3A : i32
    %add3A = arith.addi %mul3A_0, %arg0 : i32
    %mul3A_1 = arith.constant 20000 : i32
    %mul3A_2 = arith.muli %add3A, %mul3A_1 : i32
    "tpu.region"() ({
      %run_scoped3A = tpu.sem_alloc : memref<!tpu.dma_semaphore, #tpu.memory_space<semaphore_mem>>
      %dma_start3A = tpu.memref_slice %arg3[%mul3A_2] : memref<640000xi32, #tpu.memory_space<hbm>> -> memref<20000xi32, #tpu.memory_space<hbm>>
      %dma_start3A_14 = tpu.memref_slice %arg3[%mul3A_2] : memref<640000xi32, #tpu.memory_space<hbm>> -> memref<20000xi32, #tpu.memory_space<hbm>>
      tpu.enqueue_dma source(%dma_start3A_14 : memref<20000xi32, #tpu.memory_space<hbm>>) target(%arg5 : memref<20000xi32, #tpu.memory_space<vmem>>) target_semaphore(%run_scoped3A : memref<!tpu.dma_semaphore, #tpu.memory_space<semaphore_mem>>)
      %dma_wait3A = tpu.memref_slice %arg3[%mul3A_2] : memref<640000xi32, #tpu.memory_space<hbm>> -> memref<20000xi32, #tpu.memory_space<hbm>>
      %dma_wait3A_15 = tpu.memref_slice %arg3[%mul3A_2] : memref<640000xi32, #tpu.memory_space<hbm>> -> memref<20000xi32, #tpu.memory_space<hbm>>
      tpu.wait_dma2 semaphore(%run_scoped3A : memref<!tpu.dma_semaphore, #tpu.memory_space<semaphore_mem>>) src(%dma_wait3A_15 : memref<20000xi32, #tpu.memory_space<hbm>>) dst(%arg5 : memref<20000xi32, #tpu.memory_space<vmem>>)
      tpu.yield
    }) : () -> ()
    %scan3A = arith.constant 0 : i32
    %scan3A_3 = arith.constant 0 : i32
    %scan3A_4 = arith.constant 250 : i32
    %scan3A_5 = arith.addi %scan3A_3, %scan3A_4 : i32
    %scan3A_6 = arith.constant 1 : i32
    scf.for %scan3A_14 = %scan3A_3 to %scan3A_5 step %scan3A_6  : i32 {
      %mul3A_15 = arith.constant 80 : i32
      %mul3A_16 = arith.muli %scan3A_14, %mul3A_15 : i32
      %mul3A_17 = arith.constant 80 : i32
      %mul3A_18 = arith.muli %scan3A_14, %mul3A_17 : i32
      %dma_start3A = tpu.memref_slice %arg6[%mul3A_18] : memref<20000xf32, #tpu.memory_space<vmem>> -> memref<80xf32, #tpu.memory_space<vmem>>
      %dma_start3A_19 = tpu.memref_slice %arg5[%mul3A_16] : memref<20000xi32, #tpu.memory_space<vmem>> -> memref<80xi32, #tpu.memory_space<vmem>>
      %dma_start3A_20 = arith.constant 0 : i32
      %dma_start3A_21 = tpu.memref_slice %arg2[%dma_start3A_20] : memref<320000xf32, #tpu.memory_space<hbm>> -> memref<320000xf32, #tpu.memory_space<hbm>>
      tpu.enqueue_indirect_dma source(%dma_start3A_21 : memref<320000xf32, #tpu.memory_space<hbm>>) target(%dma_start3A : memref<80xf32, #tpu.memory_space<vmem>>) offsets(%dma_start3A_19 : memref<80xi32, #tpu.memory_space<vmem>>) semaphore(%arg7 : memref<!tpu.dma_semaphore, #tpu.memory_space<semaphore_mem>>)
      %ge3A = arith.constant 8 : i32
      %ge3A_22 = arith.cmpi sge, %scan3A_14, %ge3A : i32
      %convert_element_type3A = arith.extui %ge3A_22 : i1 to i32
      %cond3A = arith.constant 0 : i32
      %cond3A_23 = arith.cmpi ne, %convert_element_type3A, %cond3A : i32
      scf.if %cond3A_23 {
        %sub3A = arith.constant 8 : i32
        %sub3A_24 = arith.subi %scan3A_14, %sub3A : i32
        %mul3A_25 = arith.constant 80 : i32
        %mul3A_26 = arith.muli %sub3A_24, %mul3A_25 : i32
        %mul3A_27 = arith.constant 80 : i32
        %mul3A_28 = arith.muli %sub3A_24, %mul3A_27 : i32
        %dma_wait3A = tpu.memref_slice %arg6[%mul3A_28] : memref<20000xf32, #tpu.memory_space<vmem>> -> memref<80xf32, #tpu.memory_space<vmem>>
        %dma_wait3A_29 = tpu.memref_slice %arg5[%mul3A_26] : memref<20000xi32, #tpu.memory_space<vmem>> -> memref<80xi32, #tpu.memory_space<vmem>>
        %dma_wait3A_30 = arith.constant 0 : i32
        %dma_wait3A_31 = tpu.memref_slice %arg2[%dma_wait3A_30] : memref<320000xf32, #tpu.memory_space<hbm>> -> memref<320000xf32, #tpu.memory_space<hbm>>
        tpu.wait_indirect_dma semaphore(%arg7 : memref<!tpu.dma_semaphore, #tpu.memory_space<semaphore_mem>>) src(%dma_wait3A_31 : memref<320000xf32, #tpu.memory_space<hbm>>) dst(%dma_wait3A : memref<80xf32, #tpu.memory_space<vmem>>)
      } else {
      }
    }
    %scan3A_7 = arith.constant 250 : i32
    %scan3A_8 = arith.constant 0 : i32
    %scan3A_9 = arith.constant 0 : i32
    %scan3A_10 = arith.constant 8 : i32
    %scan3A_11 = arith.addi %scan3A_9, %scan3A_10 : i32
    %scan3A_12 = arith.constant 1 : i32
    scf.for %scan3A_14 = %scan3A_9 to %scan3A_11 step %scan3A_12  : i32 {
      %add3A_15 = arith.constant 242 : i32
      %add3A_16 = arith.addi %add3A_15, %scan3A_14 : i32
      %mul3A_17 = arith.constant 80 : i32
      %mul3A_18 = arith.muli %add3A_16, %mul3A_17 : i32
      %mul3A_19 = arith.constant 80 : i32
      %mul3A_20 = arith.muli %add3A_16, %mul3A_19 : i32
      %dma_wait3A = tpu.memref_slice %arg6[%mul3A_20] : memref<20000xf32, #tpu.memory_space<vmem>> -> memref<80xf32, #tpu.memory_space<vmem>>
      %dma_wait3A_21 = tpu.memref_slice %arg5[%mul3A_18] : memref<20000xi32, #tpu.memory_space<vmem>> -> memref<80xi32, #tpu.memory_space<vmem>>
      %dma_wait3A_22 = arith.constant 0 : i32
      %dma_wait3A_23 = tpu.memref_slice %arg2[%dma_wait3A_22] : memref<320000xf32, #tpu.memory_space<hbm>> -> memref<320000xf32, #tpu.memory_space<hbm>>
      tpu.wait_indirect_dma semaphore(%arg7 : memref<!tpu.dma_semaphore, #tpu.memory_space<semaphore_mem>>) src(%dma_wait3A_23 : memref<320000xf32, #tpu.memory_space<hbm>>) dst(%dma_wait3A : memref<80xf32, #tpu.memory_space<vmem>>)
    }
    %scan3A_13 = arith.constant 8 : i32
    "tpu.region"() ({
      %run_scoped3A = tpu.sem_alloc : memref<!tpu.dma_semaphore, #tpu.memory_space<semaphore_mem>>
      %dma_start3A = tpu.memref_slice %arg4[%mul3A_2] : memref<640000xf32, #tpu.memory_space<hbm>> -> memref<20000xf32, #tpu.memory_space<hbm>>
      %dma_start3A_14 = tpu.memref_slice %arg4[%mul3A_2] : memref<640000xf32, #tpu.memory_space<hbm>> -> memref<20000xf32, #tpu.memory_space<hbm>>
      tpu.enqueue_dma source(%arg6 : memref<20000xf32, #tpu.memory_space<vmem>>) target(%dma_start3A_14 : memref<20000xf32, #tpu.memory_space<hbm>>) target_semaphore(%run_scoped3A : memref<!tpu.dma_semaphore, #tpu.memory_space<semaphore_mem>>)
      %dma_wait3A = tpu.memref_slice %arg4[%mul3A_2] : memref<640000xf32, #tpu.memory_space<hbm>> -> memref<20000xf32, #tpu.memory_space<hbm>>
      %dma_wait3A_15 = tpu.memref_slice %arg4[%mul3A_2] : memref<640000xf32, #tpu.memory_space<hbm>> -> memref<20000xf32, #tpu.memory_space<hbm>>
      tpu.wait_dma2 semaphore(%run_scoped3A : memref<!tpu.dma_semaphore, #tpu.memory_space<semaphore_mem>>) src(%arg6 : memref<20000xf32, #tpu.memory_space<vmem>>) dst(%dma_wait3A_15 : memref<20000xf32, #tpu.memory_space<hbm>>)
      tpu.yield
    }) : () -> ()
    return
  }
}

module attributes {stable_mosaic.version = 14 : i64} {
  func.func @_tc_body(%arg0: i32, %arg1: memref<1x1x2560xf32, #tpu.memory_space<vmem>>, %arg2: memref<1x1x2560xf32, #tpu.memory_space<vmem>>, %arg3: memref<48x1xf32, #tpu.memory_space<vmem>>, %arg4: memref<48x1xf32, #tpu.memory_space<vmem>>, %arg5: memref<48x1xf32, #tpu.memory_space<vmem>>, %arg6: memref<2560x42xf32, #tpu.memory_space<vmem>>) attributes {dimension_semantics = [#tpu.dimension_semantics<arbitrary>], iteration_bounds = array<i64: 250>, scalar_prefetch = 0 : i64, scratch_operands = 0 : i64, tpu.core_type = #tpu.core_type<tc>, window_params = [{transform_indices = @transform_0, window_bounds = array<i64: 1, 1, 2560>}, {transform_indices = @transform_1, window_bounds = array<i64: 1, 1, 2560>}, {pipeline_mode = #tpu.pipeline_mode<synchronous>, transform_indices = @transform_2, window_bounds = array<i64: 48, 1>}, {pipeline_mode = #tpu.pipeline_mode<synchronous>, transform_indices = @transform_3, window_bounds = array<i64: 48, 1>}, {pipeline_mode = #tpu.pipeline_mode<synchronous>, transform_indices = @transform_4, window_bounds = array<i64: 48, 1>}, {transform_indices = @transform_5, window_bounds = array<i64: 2560, 42>}]} {
    %get3A = arith.constant 0 : index
    %get3A_0 = arith.constant 0 : index
    %get3A_1 = arith.constant 0 : index
    %get3A_2 = vector.load %arg1[%get3A, %get3A_0, %get3A_1] : memref<1x1x2560xf32, #tpu.memory_space<vmem>>, vector<1x1x2560xf32>
    %reshape3A = vector.shape_cast %get3A_2 : vector<1x1x2560xf32> to vector<1x2560xf32>
    %div3A = arith.constant 5.000000e+00 : f32
    %div3A_3 = vector.broadcast %div3A : f32 to vector<1x2560xf32>
    %div3A_4 = arith.divf %reshape3A, %div3A_3 : vector<1x2560xf32>
    %get3A_5 = arith.constant 0 : index
    %get3A_6 = arith.constant 0 : index
    %get3A_7 = vector.load %arg3[%get3A_5, %get3A_6] : memref<48x1xf32, #tpu.memory_space<vmem>>, vector<48x1xf32>
    %mul3A = vector.broadcast %div3A_4 : vector<1x2560xf32> to vector<48x2560xf32>
    %mul3A_8 = vector.broadcast %get3A_7 : vector<48x1xf32> to vector<48x2560xf32>
    %mul3A_9 = arith.mulf %mul3A, %mul3A_8 : vector<48x2560xf32>
    %sin3A = math.sin %mul3A_9 : vector<48x2560xf32>
    %cos3A = math.cos %mul3A_9 : vector<48x2560xf32>
    %div3A_10 = arith.divf %sin3A, %mul3A_9 : vector<48x2560xf32>
    %mul3A_11 = arith.mulf %mul3A_9, %mul3A_9 : vector<48x2560xf32>
    %div3A_12 = arith.divf %sin3A, %mul3A_11 : vector<48x2560xf32>
    %div3A_13 = arith.divf %cos3A, %mul3A_9 : vector<48x2560xf32>
    %sub3A = arith.subf %div3A_12, %div3A_13 : vector<48x2560xf32>
    %div3A_14 = arith.constant 3.000000e+00 : f32
    %div3A_15 = vector.broadcast %div3A_14 : f32 to vector<48x2560xf32>
    %div3A_16 = arith.divf %div3A_15, %mul3A_9 : vector<48x2560xf32>
    %mul3A_17 = arith.mulf %div3A_16, %sub3A : vector<48x2560xf32>
    %sub3A_18 = arith.subf %mul3A_17, %div3A_10 : vector<48x2560xf32>
    %div3A_19 = arith.constant 5.000000e+00 : f32
    %div3A_20 = vector.broadcast %div3A_19 : f32 to vector<48x2560xf32>
    %div3A_21 = arith.divf %div3A_20, %mul3A_9 : vector<48x2560xf32>
    %mul3A_22 = arith.mulf %div3A_21, %sub3A_18 : vector<48x2560xf32>
    %sub3A_23 = arith.subf %mul3A_22, %sub3A : vector<48x2560xf32>
    %div3A_24 = arith.constant 7.000000e+00 : f32
    %div3A_25 = vector.broadcast %div3A_24 : f32 to vector<48x2560xf32>
    %div3A_26 = arith.divf %div3A_25, %mul3A_9 : vector<48x2560xf32>
    %mul3A_27 = arith.mulf %div3A_26, %sub3A_23 : vector<48x2560xf32>
    %sub3A_28 = arith.subf %mul3A_27, %sub3A_18 : vector<48x2560xf32>
    %div3A_29 = arith.constant 9.000000e+00 : f32
    %div3A_30 = vector.broadcast %div3A_29 : f32 to vector<48x2560xf32>
    %div3A_31 = arith.divf %div3A_30, %mul3A_9 : vector<48x2560xf32>
    %mul3A_32 = arith.mulf %div3A_31, %sub3A_28 : vector<48x2560xf32>
    %sub3A_33 = arith.subf %mul3A_32, %sub3A_23 : vector<48x2560xf32>
    %div3A_34 = arith.constant 1.100000e+01 : f32
    %div3A_35 = vector.broadcast %div3A_34 : f32 to vector<48x2560xf32>
    %div3A_36 = arith.divf %div3A_35, %mul3A_9 : vector<48x2560xf32>
    %mul3A_37 = arith.mulf %div3A_36, %sub3A_33 : vector<48x2560xf32>
    %sub3A_38 = arith.subf %mul3A_37, %sub3A_28 : vector<48x2560xf32>
    %slice3A = vector.extract_strided_slice %div3A_10 {offsets = [0, 0], sizes = [6, 2560], strides = [1, 1]} : vector<48x2560xf32> to vector<6x2560xf32>
    %slice3A_39 = vector.extract_strided_slice %sub3A {offsets = [6, 0], sizes = [6, 2560], strides = [1, 1]} : vector<48x2560xf32> to vector<6x2560xf32>
    %slice3A_40 = vector.extract_strided_slice %sub3A_18 {offsets = [12, 0], sizes = [6, 2560], strides = [1, 1]} : vector<48x2560xf32> to vector<6x2560xf32>
    %slice3A_41 = vector.extract_strided_slice %sub3A_23 {offsets = [18, 0], sizes = [6, 2560], strides = [1, 1]} : vector<48x2560xf32> to vector<6x2560xf32>
    %slice3A_42 = vector.extract_strided_slice %sub3A_28 {offsets = [24, 0], sizes = [6, 2560], strides = [1, 1]} : vector<48x2560xf32> to vector<6x2560xf32>
    %slice3A_43 = vector.extract_strided_slice %sub3A_33 {offsets = [30, 0], sizes = [6, 2560], strides = [1, 1]} : vector<48x2560xf32> to vector<6x2560xf32>
    %slice3A_44 = vector.extract_strided_slice %sub3A_38 {offsets = [36, 0], sizes = [6, 2560], strides = [1, 1]} : vector<48x2560xf32> to vector<6x2560xf32>
    %slice3A_45 = vector.extract_strided_slice %div3A_10 {offsets = [42, 0], sizes = [6, 2560], strides = [1, 1]} : vector<48x2560xf32> to vector<6x2560xf32>
    %concatenate3A = tpu.concatenate %slice3A, %slice3A_39, %slice3A_40, %slice3A_41, %slice3A_42, %slice3A_43, %slice3A_44, %slice3A_45 in 0 : vector<6x2560xf32>, vector<6x2560xf32>, vector<6x2560xf32>, vector<6x2560xf32>, vector<6x2560xf32>, vector<6x2560xf32>, vector<6x2560xf32>, vector<6x2560xf32> -> vector<48x2560xf32>
    %get3A_46 = arith.constant 0 : index
    %get3A_47 = arith.constant 0 : index
    %get3A_48 = vector.load %arg4[%get3A_46, %get3A_47] : memref<48x1xf32, #tpu.memory_space<vmem>>, vector<48x1xf32>
    %mul3A_49 = vector.broadcast %get3A_48 : vector<48x1xf32> to vector<48x2560xf32>
    %mul3A_50 = arith.mulf %concatenate3A, %mul3A_49 : vector<48x2560xf32>
    %get3A_51 = arith.constant 0 : index
    %get3A_52 = arith.constant 0 : index
    %get3A_53 = arith.constant 0 : index
    %get3A_54 = vector.load %arg2[%get3A_51, %get3A_52, %get3A_53] : memref<1x1x2560xf32, #tpu.memory_space<vmem>>, vector<1x1x2560xf32>
    %reshape3A_55 = vector.shape_cast %get3A_54 : vector<1x1x2560xf32> to vector<1x2560xf32>
    %cos3A_56 = math.cos %reshape3A_55 : vector<1x2560xf32>
    %broadcast_in_dim3A = arith.constant 1.000000e+00 : f32
    %broadcast_in_dim3A_57 = vector.broadcast %broadcast_in_dim3A : f32 to vector<1x2560xf32>
    %mul3A_58 = arith.constant 3.000000e+00 : f32
    %mul3A_59 = vector.broadcast %mul3A_58 : f32 to vector<1x2560xf32>
    %mul3A_60 = arith.mulf %mul3A_59, %cos3A_56 : vector<1x2560xf32>
    %mul3A_61 = arith.mulf %mul3A_60, %cos3A_56 : vector<1x2560xf32>
    %mul3A_62 = arith.constant 1.000000e+00 : f32
    %mul3A_63 = vector.broadcast %mul3A_62 : f32 to vector<1x2560xf32>
    %mul3A_64 = arith.mulf %mul3A_63, %broadcast_in_dim3A_57 : vector<1x2560xf32>
    %sub3A_65 = arith.subf %mul3A_61, %mul3A_64 : vector<1x2560xf32>
    %div3A_66 = arith.constant 2.000000e+00 : f32
    %div3A_67 = vector.broadcast %div3A_66 : f32 to vector<1x2560xf32>
    %div3A_68 = arith.divf %sub3A_65, %div3A_67 : vector<1x2560xf32>
    %mul3A_69 = arith.constant 5.000000e+00 : f32
    %mul3A_70 = vector.broadcast %mul3A_69 : f32 to vector<1x2560xf32>
    %mul3A_71 = arith.mulf %mul3A_70, %cos3A_56 : vector<1x2560xf32>
    %mul3A_72 = arith.mulf %mul3A_71, %div3A_68 : vector<1x2560xf32>
    %mul3A_73 = arith.constant 2.000000e+00 : f32
    %mul3A_74 = vector.broadcast %mul3A_73 : f32 to vector<1x2560xf32>
    %mul3A_75 = arith.mulf %mul3A_74, %cos3A_56 : vector<1x2560xf32>
    %sub3A_76 = arith.subf %mul3A_72, %mul3A_75 : vector<1x2560xf32>
    %div3A_77 = arith.constant 3.000000e+00 : f32
    %div3A_78 = vector.broadcast %div3A_77 : f32 to vector<1x2560xf32>
    %div3A_79 = arith.divf %sub3A_76, %div3A_78 : vector<1x2560xf32>
    %mul3A_80 = arith.constant 7.000000e+00 : f32
    %mul3A_81 = vector.broadcast %mul3A_80 : f32 to vector<1x2560xf32>
    %mul3A_82 = arith.mulf %mul3A_81, %cos3A_56 : vector<1x2560xf32>
    %mul3A_83 = arith.mulf %mul3A_82, %div3A_79 : vector<1x2560xf32>
    %mul3A_84 = arith.constant 3.000000e+00 : f32
    %mul3A_85 = vector.broadcast %mul3A_84 : f32 to vector<1x2560xf32>
    %mul3A_86 = arith.mulf %mul3A_85, %div3A_68 : vector<1x2560xf32>
    %sub3A_87 = arith.subf %mul3A_83, %mul3A_86 : vector<1x2560xf32>
    %div3A_88 = arith.constant 4.000000e+00 : f32
    %div3A_89 = vector.broadcast %div3A_88 : f32 to vector<1x2560xf32>
    %div3A_90 = arith.divf %sub3A_87, %div3A_89 : vector<1x2560xf32>
    %mul3A_91 = arith.constant 9.000000e+00 : f32
    %mul3A_92 = vector.broadcast %mul3A_91 : f32 to vector<1x2560xf32>
    %mul3A_93 = arith.mulf %mul3A_92, %cos3A_56 : vector<1x2560xf32>
    %mul3A_94 = arith.mulf %mul3A_93, %div3A_90 : vector<1x2560xf32>
    %mul3A_95 = arith.constant 4.000000e+00 : f32
    %mul3A_96 = vector.broadcast %mul3A_95 : f32 to vector<1x2560xf32>
    %mul3A_97 = arith.mulf %mul3A_96, %div3A_79 : vector<1x2560xf32>
    %sub3A_98 = arith.subf %mul3A_94, %mul3A_97 : vector<1x2560xf32>
    %div3A_99 = arith.constant 5.000000e+00 : f32
    %div3A_100 = vector.broadcast %div3A_99 : f32 to vector<1x2560xf32>
    %div3A_101 = arith.divf %sub3A_98, %div3A_100 : vector<1x2560xf32>
    %mul3A_102 = arith.constant 1.100000e+01 : f32
    %mul3A_103 = vector.broadcast %mul3A_102 : f32 to vector<1x2560xf32>
    %mul3A_104 = arith.mulf %mul3A_103, %cos3A_56 : vector<1x2560xf32>
    %mul3A_105 = arith.mulf %mul3A_104, %div3A_101 : vector<1x2560xf32>
    %mul3A_106 = arith.constant 5.000000e+00 : f32
    %mul3A_107 = vector.broadcast %mul3A_106 : f32 to vector<1x2560xf32>
    %mul3A_108 = arith.mulf %mul3A_107, %div3A_90 : vector<1x2560xf32>
    %sub3A_109 = arith.subf %mul3A_105, %mul3A_108 : vector<1x2560xf32>
    %div3A_110 = arith.constant 6.000000e+00 : f32
    %div3A_111 = vector.broadcast %div3A_110 : f32 to vector<1x2560xf32>
    %div3A_112 = arith.divf %sub3A_109, %div3A_111 : vector<1x2560xf32>
    %broadcast_in_dim3A_113 = vector.shape_cast %broadcast_in_dim3A_57 : vector<1x2560xf32> to vector<1x2560xf32>
    %broadcast_in_dim3A_114 = vector.broadcast %broadcast_in_dim3A_113 : vector<1x2560xf32> to vector<6x2560xf32>
    %broadcast_in_dim3A_115 = vector.shape_cast %cos3A_56 : vector<1x2560xf32> to vector<1x2560xf32>
    %broadcast_in_dim3A_116 = vector.broadcast %broadcast_in_dim3A_115 : vector<1x2560xf32> to vector<6x2560xf32>
    %broadcast_in_dim3A_117 = vector.shape_cast %div3A_68 : vector<1x2560xf32> to vector<1x2560xf32>
    %broadcast_in_dim3A_118 = vector.broadcast %broadcast_in_dim3A_117 : vector<1x2560xf32> to vector<6x2560xf32>
    %broadcast_in_dim3A_119 = vector.shape_cast %div3A_79 : vector<1x2560xf32> to vector<1x2560xf32>
    %broadcast_in_dim3A_120 = vector.broadcast %broadcast_in_dim3A_119 : vector<1x2560xf32> to vector<6x2560xf32>
    %broadcast_in_dim3A_121 = vector.shape_cast %div3A_90 : vector<1x2560xf32> to vector<1x2560xf32>
    %broadcast_in_dim3A_122 = vector.broadcast %broadcast_in_dim3A_121 : vector<1x2560xf32> to vector<6x2560xf32>
    %broadcast_in_dim3A_123 = vector.shape_cast %div3A_101 : vector<1x2560xf32> to vector<1x2560xf32>
    %broadcast_in_dim3A_124 = vector.broadcast %broadcast_in_dim3A_123 : vector<1x2560xf32> to vector<6x2560xf32>
    %broadcast_in_dim3A_125 = vector.shape_cast %div3A_112 : vector<1x2560xf32> to vector<1x2560xf32>
    %broadcast_in_dim3A_126 = vector.broadcast %broadcast_in_dim3A_125 : vector<1x2560xf32> to vector<6x2560xf32>
    %broadcast_in_dim3A_127 = arith.constant 0.000000e+00 : f32
    %broadcast_in_dim3A_128 = vector.broadcast %broadcast_in_dim3A_127 : f32 to vector<6x2560xf32>
    %concatenate3A_129 = tpu.concatenate %broadcast_in_dim3A_114, %broadcast_in_dim3A_116, %broadcast_in_dim3A_118, %broadcast_in_dim3A_120, %broadcast_in_dim3A_122, %broadcast_in_dim3A_124, %broadcast_in_dim3A_126, %broadcast_in_dim3A_128 in 0 : vector<6x2560xf32>, vector<6x2560xf32>, vector<6x2560xf32>, vector<6x2560xf32>, vector<6x2560xf32>, vector<6x2560xf32>, vector<6x2560xf32>, vector<6x2560xf32> -> vector<48x2560xf32>
    %get3A_130 = arith.constant 0 : index
    %get3A_131 = arith.constant 0 : index
    %get3A_132 = vector.load %arg5[%get3A_130, %get3A_131] : memref<48x1xf32, #tpu.memory_space<vmem>>, vector<48x1xf32>
    %mul3A_133 = vector.broadcast %get3A_132 : vector<48x1xf32> to vector<48x2560xf32>
    %mul3A_134 = arith.mulf %concatenate3A_129, %mul3A_133 : vector<48x2560xf32>
    %mul3A_135 = arith.mulf %mul3A_50, %mul3A_134 : vector<48x2560xf32>
    %transpose3A = tpu.transpose %mul3A_135, [1, 0] : vector<48x2560xf32> -> vector<2560x48xf32>
    %slice3A_136 = vector.extract_strided_slice %transpose3A {offsets = [0, 0], sizes = [2560, 42], strides = [1, 1]} : vector<2560x48xf32> to vector<2560x42xf32>
    %swap3A = arith.constant 0 : index
    %swap3A_137 = arith.constant 0 : index
    %swap3A_138 = vector.load %arg6[%swap3A, %swap3A_137] : memref<2560x42xf32, #tpu.memory_space<vmem>>, vector<2560x42xf32>
    tpu.vector_store %arg6[%swap3A, %swap3A_137], %slice3A_136 {strides = array<i32>} : memref<2560x42xf32, #tpu.memory_space<vmem>>, vector<2560x42xf32>,
    return
  }
  func.func @transform_0(%arg0: i32) -> (i32, i32, i32) {
    %c0_i32 = arith.constant 0 : i32
    %c0_i32_0 = arith.constant 0 : i32
    %c0_i32_1 = arith.constant 0 : i32
    return %arg0, %c0_i32, %c0_i32_0 : i32, i32, i32
  }
  func.func @transform_1(%arg0: i32) -> (i32, i32, i32) {
    %c0_i32 = arith.constant 0 : i32
    %c0_i32_0 = arith.constant 0 : i32
    %c0_i32_1 = arith.constant 0 : i32
    return %arg0, %c0_i32, %c0_i32_0 : i32, i32, i32
  }
  func.func @transform_2(%arg0: i32) -> (i32, i32) {
    %c0_i32 = arith.constant 0 : i32
    %c0_i32_0 = arith.constant 0 : i32
    %c0_i32_1 = arith.constant 0 : i32
    return %c0_i32, %c0_i32_0 : i32, i32
  }
  func.func @transform_3(%arg0: i32) -> (i32, i32) {
    %c0_i32 = arith.constant 0 : i32
    %c0_i32_0 = arith.constant 0 : i32
    %c0_i32_1 = arith.constant 0 : i32
    return %c0_i32, %c0_i32_0 : i32, i32
  }
  func.func @transform_4(%arg0: i32) -> (i32, i32) {
    %c0_i32 = arith.constant 0 : i32
    %c0_i32_0 = arith.constant 0 : i32
    %c0_i32_1 = arith.constant 0 : i32
    return %c0_i32, %c0_i32_0 : i32, i32
  }
  func.func @transform_5(%arg0: i32) -> (i32, i32) {
    %c0_i32 = arith.constant 0 : i32
    %c0_i32_0 = arith.constant 0 : i32
    return %arg0, %c0_i32 : i32, i32
  }
}

</mosaic_0001>

<sc_bundles>
// kernel: kernel.4.cloned.1.call-start
scs
__scs_entry_jumppad:
0x0: {  	(pc) =	sbr.rel $0x88, $3  }
0x1: {  	(tag) =	ssettag $0x0;
	lr =	simm.s32 $0x1  }
0x2: {  	[smem:$0x3F9C] =	sst lr;
	_ =	strace $0xD0000000  }
0x3: {  	_ = 	snop  }
0x4: {  	_ = 	snop  }
0x5: {  	_ = 	snop  }
0x6: {  	_ = 	snop  }
0x7: {  	_ = 	snop  }
__scs_overlays_trampoline_lowered:
0x8: {  	[smem:$0x3FAB] =	sst s0  }
0x9: {  	[smem:$0x3FAC] =	sst s1  }
0xa: {  	[smem:$0x3FAD] =	sst s2  }
0xb: {  	[smem:$0x3FAE] =	sst s3  }
0xc: {  	[smem:$0x3FAF] =	sst s4  }
0xd: {  	[smem:$0x3FB0] =	sst s5  }
0xe: {  	[smem:$0x3FB1] =	sst s6  }
0xf: {  	[smem:$0x3FB2] =	sst s7  }
0x10: {  	[smem:$0x3FB3] =	sst s8  }
0x11: {  	[smem:$0x3FB4] =	sst s9;
	s0 =	simm.s32 @!p0 $0x0  }
0x12: {  	s1 =	sld [smem:$0x3F9A];
	s0 =	simm.s32 @p0 $0x1  }
0x13: {  	[smem:$0x3FB5] =	sst s0;
	s0 =	simm.s32 @!p1 $0x0  }
0x14: {  	s2 =	sld [smem:$0x3F99];
	s0 =	simm.s32 @p1 $0x1  }
0x15: {  	[smem:$0x3FB6] =	sst s0;
	s0 =	simm.s32 @!p2 $0x0  }
0x16: {  	s3 =	sld [smem:$0x3FDB];
	s0 =	simm.s32 @p2 $0x1  }
0x17: {  	s4 =	simm.s32 $0x1BF5;
	[smem:$0x3FB8] =	sst s0  }
0x18: {  	s0 =	sld [smem:$0x3F9B];
	_ =	swait.ge [sflag:s4], $0x0  }
0x19: {  	s7 =	sld [smem:$0x3F9C]  }
0x1a: {  	s8 =	sadd.s32 $0xFFFFE003, lr  }
0x1b: {  	s9 =	sadd.s32 $0xFFFFFEF7, lr;
	s5 =	simm.s32 $0xFFFFFFFF;
	p2 =	slt.u32 s8, $0xFFFFF086  }
0x1c: {  	p1 =	slt.u32 s9, $0xF7A;
	s5 =	simm.s32 @!p2 $0x0  }
0x1d: {  	s5 =	simm.s32 @p1 $0x1;
	p0 =	seq.s32 s7, s2  }
0x1e: {  	s7 =	smul.u32 @!p0 $0xF7A, s2;
	p2 =	seq.s32 @!p0 s5, $0x0  }
0x1f: {  	s9 =	smul.u32 $0xF7A, s1;
	s8 =	simm.s32 @!p0 $0x1BF5;
	p2 =	por !p2, p0  }
0x20: {  	[sflag:s8] =	ssyncset.s32 @!p0 $0xFFFFF086;
	s6 =	sadd.s32 @!p0 s3, s7;
	s7 =	simm.s32 @!p0 $0x108  }
0x21: {  	s3 =	sadd.s32 s3, s9;
	s6 =	sadd.s32 @!p0 $0x88, s6;
	s7 =	simm.s32 @p2 $0x1082  }
0x22: {  	[simem:s7], [sflag:s8] =	dma.local @!p0 [hbm:s6], $0xF7A  }
0x23: {  	s9 =	sor.u32 $0xD0000000, s2;
	s6 =	simm.s32 $0x108;
	_ =	swait.ge @!p0 [sflag:s8], $0x0  }
0x24: {  	s3 =	sadd.s32 $0x88, s3;
	s6 =	simm.s32 @!p1 $0x1082;
	[sflag:s4] =	ssyncset.s32 $0xFFFFF086  }
0x25: {  	[simem:s6], [sflag:s4] =	dma.local [hbm:s3], $0xF7A  }
0x26: {  	[smem:$0x3F9C] =	sst s1;
	(tag) =	ssettag s2;
	_ =	strace s9  }
0x27: {  	s1 =	sld [smem:$0x3FAC]  }
0x28: {  	s2 =	sld [smem:$0x3FAD]  }
0x29: {  	s4 =	sld [smem:$0x3FAF]  }
0x2a: {  	p0 =	seq.s32 s5, $0x0;
	s5 =	sld [smem:$0x3FB0]  }
0x2b: {  	s6 =	sld [smem:$0x3FB1]  }
0x2c: {  	s7 =	sld [smem:$0x3FB2]  }
0x2d: {  	s3 =	simm.s32 $0x108;
	s8 =	sld [smem:$0x3FB3]  }
0x2e: {  	s3 =	simm.s32 @!p0 $0x1082;
	s9 =	sld [smem:$0x3FB4]  }
0x2f: {  	lr =	sadd.s32 s0, s3;
	s0 =	sld [smem:$0x3FAB]  }
0x30: {  	s3 =	sld [smem:$0x3FAE]  }
0x31: {  	[smem:$0x3FB7] =	sst s10  }
0x32: {  	s10 =	sld [smem:$0x3FB5];
	_ =	sdelay $0x3  }
0x33: {  	p0 =	seq.s32 s10, $0x1;
	s10 =	sld [smem:$0x3FB7];
	_ =	sdelay $0x3  }
0x34: {  	[smem:$0x3FB7] =	sst s10  }
0x35: {  	s10 =	sld [smem:$0x3FB6];
	_ =	sdelay $0x3  }
0x36: {  	p1 =	seq.s32 s10, $0x1;
	s10 =	sld [smem:$0x3FB7];
	_ =	sdelay $0x3  }
0x37: {  	[smem:$0x3FB7] =	sst s10  }
0x38: {  	s10 =	sld [smem:$0x3FB8]  }
0x39: {  	_ = 	snop;
	(pc) =	sbr.ind lr, $3  }
0x3a: {  	_ = 	snop  }
0x3b: {  	_ = 	snop  }
0x3c: {  	p2 =	seq.s32 s10, $0x1;
	s10 =	sld [smem:$0x3FB7]  }
0x3d: {  	_ =	shalt  }
0x3e: {  	_ =	shalt  }
0x3f: {  	_ =	shalt  }
0x40: {  	_ =	shalt  }
0x41: {  	_ =	shalt  }
0x42: {  	_ =	shalt  }
0x43: {  	_ =	shalt  }
0x44: {  	_ =	shalt  }
0x45: {  	_ =	shalt  }
0x46: {  	_ =	shalt  }
0x47: {  	_ =	shalt  }
0x48: {  	_ =	shalt  }
0x49: {  	_ =	shalt  }
0x4a: {  	_ =	shalt  }
0x4b: {  	_ =	shalt  }
0x4c: {  	_ =	shalt  }
0x4d: {  	_ =	shalt  }
0x4e: {  	_ =	shalt  }
0x4f: {  	_ =	shalt  }
0x50: {  	_ =	shalt  }
0x51: {  	_ =	shalt  }
0x52: {  	_ =	shalt  }
0x53: {  	_ =	shalt  }
0x54: {  	_ =	shalt  }
0x55: {  	_ =	shalt  }
0x56: {  	_ =	shalt  }
0x57: {  	_ =	shalt  }
0x58: {  	_ =	shalt  }
0x59: {  	_ =	shalt  }
0x5a: {  	_ =	shalt  }
0x5b: {  	_ =	shalt  }
0x5c: {  	_ =	shalt  }
0x5d: {  	_ =	shalt  }
0x5e: {  	_ =	shalt  }
0x5f: {  	_ =	shalt  }
0x60: {  	_ =	shalt  }
0x61: {  	_ =	shalt  }
0x62: {  	_ =	shalt  }
0x63: {  	_ =	shalt  }
0x64: {  	_ =	shalt  }
0x65: {  	_ =	shalt  }
0x66: {  	_ =	shalt  }
0x67: {  	_ =	shalt  }
0x68: {  	_ =	shalt  }
0x69: {  	_ =	shalt  }
0x6a: {  	_ =	shalt  }
0x6b: {  	_ =	shalt  }
0x6c: {  	_ =	shalt  }
0x6d: {  	_ =	shalt  }
0x6e: {  	_ =	shalt  }
0x6f: {  	_ =	shalt  }
0x70: {  	_ =	shalt  }
0x71: {  	_ =	shalt  }
0x72: {  	_ =	shalt  }
0x73: {  	_ =	shalt  }
0x74: {  	_ =	shalt  }
0x75: {  	_ =	shalt  }
0x76: {  	_ =	shalt  }
0x77: {  	_ =	shalt  }
0x78: {  	_ =	shalt  }
0x79: {  	_ =	shalt  }
0x7a: {  	_ =	shalt  }
0x7b: {  	_ =	shalt  }
0x7c: {  	_ =	shalt  }
0x7d: {  	_ =	shalt  }
0x7e: {  	_ =	shalt  }
0x7f: {  	_ =	shalt  }
0x80: {  	_ =	shalt  }
0x81: {  	_ =	shalt  }
0x82: {  	_ =	shalt  }
0x83: {  	_ =	shalt  }
0x84: {  	_ =	shalt  }
0x85: {  	_ =	shalt  }
0x86: {  	_ =	shalt  }
0x87: {  	_ =	shalt  }
.Lfunc_end0:
.L_simem_size_0:
called_computation_lowered:
.L_overlay_start_0:
0x88: {  	s2 =	sld [smem:$0x3FD9]  }
0x89: {  	s3 =	sld [smem:$0x3FFE];
	_ =	sdelay $0x1  }
0x8a: {  	s1 =	srdreg.scid  }
0x8b: {  	s0 =	sand.u32 $0x1, s1  }
0x8c: {  	s18 =	sshll.u32 s0, $0xA;
	s2 =	sadd.s32 s3, s2  }
0x8d: {  	s2 =	sadd.s32 s2, s18  }
0x8e: {  	[smem:$0x3FC3] =	sst s2  }
0x8f: {  	_ = 	snop  }
0x90: {  	s2 =	sld [smem:$0x3FC9]  }
0x91: {  	s19 =	sld [smem:$0x3FC7]  }
0x92: {  	s4 =	sld [smem:$0x3FD0];
	(tm) =	ssettm $0x1  }
0x93: {  	s5 =	sld [smem:$0x3FFB];
	_ =	sdelay $0x3  }
0x94: {  	_ =	strace s5  }
0x95: {  	s5 =	sld [smem:$0x3FFC];
	_ =	sdelay $0x3  }
0x96: {  	_ =	strace s5  }
0x97: {  	s5 =	sld [smem:$0x3FFD];
	_ =	sdelay $0x3  }
0x98: {  	_ =	strace s5  }
0x99: {  	_ =	strace $0x8FFFFFFF  }
0x9a: {  	s20 =	sld [smem:$0x3FDB];
	_ =	sdelay $0x1  }
0x9b: {  	s6 =	simm.s32 $_scs_section_size  }
0x9c: {  	s7 =	simm.s32 $_size__tile_overlayer_lowered;
	s8 =	simm.s32 $_tile_overlayer_lowered  }
0x9d: {  	s23 =	simm.s32 $0x1BFF;
	s22 =	sshll.u32 s8, $0x1;
	s5 =	sadd.s32 s6, s20  }
0x9e: {  	s9 =	simm.s32 $0x0;
	s21 =	sshll.u32 s7, $0x1;
	s7 =	sadd.s32 s22, s5  }
0x9f: {  	[timem:s9], [sflag:s23] =	dma.local [hbm:s7], s21  }
0xa0: {  	_ =	swait.ge [sflag:s23], s21  }
0xa1: {  	s6 =	ssub.s32 $0x0, s21;
	[sflag:s23] =	ssyncset.done $0x0  }
0xa2: {  	[sflag:s23] =	ssyncadd.s32 s6;
	_ =	sdelay $0x1  }
0xa3: {  	s24 =	simm.s32 $0x1B8B  }
0xa4: {  	_ =	swait.ge [sflag:s24], $0x1  }
0xa5: {  	[sflag:s24] =	ssyncset.done $0x0  }
0xa6: {  	s25 =	simm.s32 $0x1B8E;
	[sflag:s24] =	ssyncadd.s32 $0xFFFFFFFF  }
0xa7: {  	s26 =	simm.s32 $execute0_lowered;
	[smem:$0x3FD2] =	sst s25  }
0xa8: {  	s6 =	sshll.u32 s26, $0x1;
	_ =	strace $0x80000046;
	[dreg:$0x1] =	wrdreg $0xFFFFFFFF  }
0xa9: {  	s28 =	simm.s32 $_size_execute0_lowered;
	s5 =	sadd.s32 s5, s6;
	[dreg:$0x0] =	wrdreg $0x0  }
0xaa: {  	s6 =	sshll.u32 s28, $0x1;
	[dreg:$0x2] =	wrdreg s5  }
0xab: {  	[dreg:$0x3] =	wrdreg s6  }
0xac: {  	[dreg:$0x4] =	wrdreg $0xC0  }
0xad: {  	_ =	task [dreg:s9], $0x5FFFF  }
0xae: {  	[dreg:$0x1] =	wrdreg $0xFFFFFFFF  }
0xaf: {  	[dreg:$0x0] =	wrdreg $0x60  }
0xb0: {  	[dreg:$0x2] =	wrdreg s2  }
0xb1: {  	[dreg:$0x3] =	wrdreg s19  }
0xb2: {  	[dreg:$0x4] =	wrdreg s4  }
0xb3: {  	[dreg:$0x5] =	wrdreg $0x9  }
0xb4: {  	_ =	task.clear_ibuf [dreg:s9], $0x6FFFF;
	_ =	strace $0x90000046  }
0xb5: {  	s29 =	simm.s32 $0x9;
	_ =	strace $0x80000048  }
0xb6: {  	_ =	swait.ge [sflag:s29], $0x1  }
0xb7: {  	[sflag:s29] =	ssyncadd.s32 $0xFFFFFFFF  }
0xb8: {  	_ =	strace $0x90000048  }
0xb9: {  	_ =	sfence  }
0xba: {  	s30 =	sld [smem:$0x0];
	_ =	sdelay $0x2  }
0xbb: {  	s31 =	sshll.u32 s1, $0xD;
	s1 =	sshrl.u32 s1, $0x2  }
0xbc: {  	s3 =	sand.u32 $0x4000, s31;
	s1 =	sadd.s32 s1, s30  }
0xbd: {  	s0 =	sor.u32 s3, s0;
	s1 =	sshll.u32 s1, $0x11  }
0xbe: {  	s0 =	sor.u32 s1, s0  }
0xbf: {  	s0 =	sadd.s32 $0x8F2B, s0  }
0xc0: {  	[sflag:s0] =	ssyncadd.remote.s32 $0x1  }
0xc1: {  	_ =	sfence.sel $0xFFFF  }
0xc2: {  	[dreg:$0x0] =	wrdreg $0xFFFFFFFF;
	(pc) =	sbr.abs _section_cstart, $3  }
0xc3: {  	[dreg:$0x1] =	wrdreg $0xFFFFFFFF  }
0xc4: {  	_ =	task.clear_ibuf [dreg:s9], $0x2FFFF;
	_ =	strace $0x9FFFFFFF  }
0xc5: {  	(tm) =	ssettm $0x7FFFFFFF  }
tec
execute0_lowered:
.L_overlay_start_1:
0x0: {  	(tag) =	ssettag $0x1  }
0x1: {  	s1 =	rddreg [dreg:$0x0]  }
0x2: {  	s4 =	rddreg [dreg:$0x1];
	s2 =	srdreg.scid  }
0x3: {  	s0 =	stileid.u32;
	s5 =	rddreg [dreg:$0x2];
	s3 =	simm.s32 $0x0  }
0x4: {  	s9 =	simm.s32 $0x1;
	s6 =	sand.u32 $0x1, s2;
	s7 =	sshll.u32 s0, $0x1  }
0x5: {  	s10 =	simm.s32 $0x4E80;
	s11 =	simm.s32 $0x0;
	s7 =	sor.u32 s6, s7  }
0x6: {  	[smem:$0x7FF] =	sst s3;
	s6 =	ssub.s32 $0x2, s6;
	s7 =	smul.u32 $0x9C4, s7  }
0x7: {  	s2 =	rddreg [dreg:$0x3];
	_ =	strace $0x80000047;
	s8 =	sshrl.u32 s6, $0x1  }
0x8: {  	s6 =	ssub.s32 s6, s8;
	s8 =	simm.s32 $0x50;
	s4 =	sadd.s32 s4, s7  }
0x9: {  	s5 =	sadd.s32 s5, s7;
	s6 =	smax.u32 s6, $0x1;
	s7 =	simm.s32 $0x2  }
.LBB2_1:
0xa: {  	[tilespmem:s3], [sflag:$0x2] =	stream.linear.gather [hbm4b:s4+s3], $0x4E20, $0x38;
	[tilespmem:$0x9D00] =	vst v63  }
0xb: {  	_ =	swait.ge [sflag:s7], $0x4E20  }
0xc: {  	p0 =	por $0x1, $0x1;
	[sflag:s7] =	ssyncset.done $0x0  }
0xd: {  	s15 =	simm.s32 @!p0 $0x1;
	[sflag:s7] =	ssyncadd.s32 $0xFFFFB1E0  }
0xe: {  	[tilespmem:s10], [sflag:$0x1] =	stream.indirect.gather [hbm4b:s1+s8], $0x1, s3, s8, $0xb8;
	[tilespmem:$0x9D00] =	vst v63  }
0xf: {  	s12 =	simm.s32 $0x1;
	_ =	swait.ge @!p0 [sflag:s15], $0x50  }
0x10: {  	s13 =	simm.s32 $0x4ED0;
	s14 =	simm.s32 $0x0;
	[sflag:s15] =	ssyncset.done @!p0 $0x0  }
.LBB2_2:
0x11: {  	[sflag:s15] =	ssyncadd.s32 @!p0 $0xFFFFFFB0  }
0x12: {  	s14 =	sadd.s32 $0x50, s14;
	s15 =	smov.u32 s12;
	s12 =	sadd.s32 $0x1, s12  }
0x13: {  	p1 =	sne.s32 s12, $0xFA  }
0x14: {  	[tilespmem:s13], [sflag:$0x1] =	stream.indirect.gather [hbm4b:s1+s8], $0x1, s14, s8, $0xb8;
	[tilespmem:$0x9D00] =	vst v63  }
.Ltmp0:
0x15: {  	_ = 	snop;
	(pc) =	sbr.rel @p1 .LBB2_2-.Ltmp0, $4  }
0x16: {  	p0 =	slt.u32 s15, $0x8  }
0x17: {  	s15 =	simm.s32 @!p0 $0x1  }
0x18: {  	_ =	swait.ge @!p0 [sflag:s15], $0x50  }
0x19: {  	s13 =	sadd.s32 $0x50, s13;
	[sflag:s15] =	ssyncset.done @!p0 $0x0  }
0x1a: {  	[sflag:s15] =	ssyncadd.s32 @!p0 $0xFFFFFFB0  }
0x1b: {  	_ =	swait.ge [sflag:s9], $0x50  }
0x1c: {  	[sflag:s9] =	ssyncset.done $0x0  }
0x1d: {  	[sflag:s9] =	ssyncadd.s32 $0xFFFFFFB0  }
0x1e: {  	_ =	swait.ge [sflag:s9], $0x50  }
0x1f: {  	[sflag:s9] =	ssyncset.done $0x0  }
0x20: {  	[sflag:s9] =	ssyncadd.s32 $0xFFFFFFB0  }
0x21: {  	_ =	swait.ge [sflag:s9], $0x50  }
0x22: {  	[sflag:s9] =	ssyncset.done $0x0  }
0x23: {  	[sflag:s9] =	ssyncadd.s32 $0xFFFFFFB0  }
0x24: {  	_ =	swait.ge [sflag:s9], $0x50  }
0x25: {  	[sflag:s9] =	ssyncset.done $0x0  }
0x26: {  	[sflag:s9] =	ssyncadd.s32 $0xFFFFFFB0  }
0x27: {  	_ =	swait.ge [sflag:s9], $0x50  }
0x28: {  	[sflag:s9] =	ssyncset.done $0x0  }
0x29: {  	[sflag:s9] =	ssyncadd.s32 $0xFFFFFFB0  }
0x2a: {  	_ =	swait.ge [sflag:s9], $0x50  }
0x2b: {  	[sflag:s9] =	ssyncset.done $0x0  }
0x2c: {  	[sflag:s9] =	ssyncadd.s32 $0xFFFFFFB0  }
0x2d: {  	_ =	swait.ge [sflag:s9], $0x50  }
0x2e: {  	[sflag:s9] =	ssyncset.done $0x0  }
0x2f: {  	[sflag:s9] =	ssyncadd.s32 $0xFFFFFFB0  }
0x30: {  	s11 =	sadd.s32 $0x1, s11;
	_ =	swait.ge [sflag:s9], $0x50  }
0x31: {  	p0 =	sne.s32 s11, s6;
	[sflag:s9] =	ssyncset.done $0x0  }
.Ltmp1:
0x32: {  	[sflag:s9] =	ssyncadd.s32 $0xFFFFFFB0;
	(pc) =	sbr.rel @p0 .LBB2_1-.Ltmp1, $4  }
0x33: {  	[hbm4b:s5+s3] =	stream.linear.scatter [tilespmem:s10], [sflag:$0x2], $0x4E20, $0x38;
	[tilespmem:$0x9D00] =	vst v63  }
0x34: {  	_ =	swait.ge [sflag:s7], $0x4E20  }
0x35: {  	[sflag:s7] =	ssyncset.done $0x0  }
0x36: {  	[sflag:s7] =	ssyncadd.s32 $0xFFFFB1E0  }
0x37: {  	_ =	sfence.sel $0x180000  }
0x38: {  	[bflag:$0x0] =	sbarrier.arrive $0xFFFF  }
0x39: {  	p0 =	sne.s32 s0, $0x0;
	_ =	strace $0x90000047  }
0x3a: {  	s0 =	sadd.s32 @!p0 $0x100000, s2;
	[bflag:$0x2] =	sbarrier.arrive $0xFFFF  }
0x3b: {  	[sflag:s0] =	ssyncadd.tile.s32 @!p0 $0x1;
	_ =	shalt  }
.Lfunc_end2:
_tile_overlayer_lowered:
.L_overlay_start_2:
0x3c: {  	(tag) =	ssettag $0x2  }
0x3d: {  	s0 =	rddreg [dreg:$0x0];
	s2 =	stileid.u32  }
0x3e: {  	s1 =	rddreg [dreg:$0x1];
	p0 =	sne.s32 s2, $0x0  }
0x3f: {  	s3 =	rddreg [dreg:$0x2];
	[bflag:$0x3] =	sbarrier.arrive $0xFFFF;
	s2 =	simm.s32 @!p0 $0x1C02  }
0x40: {  	[timem:s3], [sflag:s2] =	dma.local @!p0 [hbm:s0], s1  }
0x41: {  	s0 =	simm.s32 @!p0 $0x2  }
0x42: {  	_ =	swait.ge @!p0 [sflag:s0], s1  }
0x43: {  	s1 =	ssub.s32 @!p0 $0x0, s1;
	[sflag:s0] =	ssyncset.done @!p0 $0x0  }
0x44: {  	[sflag:s0] =	ssyncadd.s32 @!p0 s1  }
0x45: {  	[bflag:$0x3] =	sbarrier.arrive $0xFFFF  }
0x46: {  	_ =	shalt  }

</sc_bundles>
